<compile_context>
chip_gen: v7x
topology: tpu7x:2x2x1
jax: 0.10.2.dev20260603
libtpu: 0.0.44.dev20260713+nightly
codegen_flags: <defaults>
</compile_context>

<pallas_src>
import functools

import jax
import jax.numpy as jnp
from jax import lax
from jax.experimental import pallas as pl
from jax.experimental.pallas import tpu as pltpu
from jax.experimental.pallas import tpu_sc as plsc

_LANES = 16
_NCHUNK = 2


@functools.lru_cache(maxsize=None)
def _make_sc_kernel(batch: int):
    info = plsc.get_sparse_core_info()
    nc, ns = info.num_cores, info.num_subcores
    nw = nc * ns
    assert batch % (8 * nw) == 0
    b_per_w = batch // nw
    chunk = b_per_w // _NCHUNK

    mesh = plsc.VectorSubcoreMesh(core_axis_name="c", subcore_axis_name="s")

    @functools.partial(
        pl.kernel,
        mesh=mesh,
        out_type=jax.ShapeDtypeStruct((batch,), jnp.float32),
        scratch_types=[
            pltpu.VMEM((b_per_w,), jnp.int32),
            pltpu.VMEM((b_per_w,), jnp.float32),
            pltpu.VMEM((_LANES,), jnp.float32),
            pltpu.SemaphoreType.DMA,
            pltpu.SemaphoreType.DMA,
            pltpu.SemaphoreType.DMA,
        ]
        + [pltpu.SemaphoreType.DMA for _ in range(_NCHUNK)],
    )
    def sc_kernel(dls_hbm, w_hbm, b_hbm, idx_hbm, out_hbm,
                  idx_v, vals_v, wb_v, sem_in, sem_out, sem_wb, *sem_g):
        wid = lax.axis_index("s") * nc + lax.axis_index("c")
        base = wid * b_per_w
        cp_i = pltpu.async_copy(idx_hbm.at[pl.ds(base, b_per_w)], idx_v,
                                sem_in)
        cp_w = pltpu.async_copy(w_hbm.at[0], wb_v.at[pl.ds(0, 1)], sem_wb)
        cp_b = pltpu.async_copy(b_hbm, wb_v.at[pl.ds(8, 1)], sem_wb)
        cp_i.wait()
        gathers = []
        for k in range(_NCHUNK):
            sl = pl.ds(k * chunk, chunk)
            gathers.append(
                pltpu.async_copy(dls_hbm.at[idx_v.at[sl]], vals_v.at[sl],
                                 sem_g[k]))
        cp_w.wait()
        cp_b.wait()
        wb_vec = wb_v[...]
        w_vec = jnp.full((_LANES,), wb_vec[0], dtype=jnp.float32)
        b_vec = jnp.full((_LANES,), wb_vec[8], dtype=jnp.float32)
        stores = []
        for k in range(_NCHUNK):
            gathers[k].wait()
            for i in range(chunk // _LANES):
                sl = pl.ds(k * chunk + i * _LANES, _LANES)
                vals_v[sl] = vals_v[sl] * w_vec + b_vec
            sl = pl.ds(k * chunk, chunk)
            stores.append(
                pltpu.async_copy(vals_v.at[sl],
                                 out_hbm.at[pl.ds(base + k * chunk, chunk)],
                                 sem_out))
        for st in stores:
            st.wait()

    return sc_kernel


def kernel(dls, w, b, cells_oi):
    batch = cells_oi.shape[0]
    idx = cells_oi.astype(jnp.int32)
    out = _make_sc_kernel(batch)(dls, w, b, idx)
    return out.reshape(-1, 1)

# --- scband reference (transcript-rebuilt; emitter-appended) ---
"""Pipeline reference for scband-library-size-encoder-45157286150932 (READ-ONLY COPY).

The authoritative reference and input builder live on the scoring server;
editing this copy changes nothing except your own understanding.
"""

import jax, jax.numpy as jnp
import numpy as np

N_CELLS = 1000000
BATCH = 16384

def setup_inputs(seed: int = 0) -> dict:
    key = jax.random.key(seed)
    k1, k2, k3, k4 = jax.random.split(key, 4)
    # differential_library_size buffer: standardized library size per cell
    lib = jax.random.normal(k1, (N_CELLS,), dtype=jnp.float32)
    dls = (lib - jnp.mean(lib)) / jnp.std(lib)
    # minibatch cell indices
    cells_oi = jax.random.randint(k2, (BATCH,), 0, N_CELLS, dtype=jnp.int64 if jax.config.jax_enable_x64 else jnp.int32)
    # Linear(1, 1) parameters (torch default init: U(-1, 1) since fan_in=1)
    w = jax.random.uniform(k3, (1, 1), dtype=jnp.float32, minval=-1.0, maxval=1.0)
    b = jax.random.uniform(k4, (1,), dtype=jnp.float32, minval=-1.0, maxval=1.0)
    return {"dls": dls, "w": w, "b": b, "cells_oi": cells_oi}

def reference(dls, w, b, cells_oi):
    # gather differential library size for cells in minibatch, then Linear(1,1)
    x = jnp.take(dls, cells_oi, axis=0).reshape(-1, 1)  # [B, 1]
    out = x @ w.T + b  # [B, 1]
    return out

if __name__ == "__main__":
    import jax
    _d = setup_inputs()
    print(jax.jit(kernel)(*tuple(_d.values())))

</pallas_src>

<mosaic_0001>
#map = affine_map<(d0, d1) -> (0)>
#map1 = affine_map<(d0, d1) -> (0, 0)>
module attributes {stable_mosaic.version = 14 : i64} {
  func.func @sc_kernel(%arg0: i32, %arg1: i32, %arg2: memref<1000000xf32, #tpu.memory_space<hbm>>, %arg3: memref<1x1xf32, #tpu.memory_space<hbm>>, %arg4: memref<1xf32, #tpu.memory_space<hbm>>, %arg5: memref<16384xi32, #tpu.memory_space<hbm>>, %arg6: memref<16384xf32, #tpu.memory_space<hbm>>, %arg7: memref<512xi32, #tpu.memory_space<vmem>>, %arg8: memref<512xf32, #tpu.memory_space<vmem>>, %arg9: memref<16xf32, #tpu.memory_space<vmem>>, %arg10: memref<!tpu.dma_semaphore, #tpu.memory_space<semaphore_mem>>, %arg11: memref<!tpu.dma_semaphore, #tpu.memory_space<semaphore_mem>>, %arg12: memref<!tpu.dma_semaphore, #tpu.memory_space<semaphore_mem>>, %arg13: memref<!tpu.dma_semaphore, #tpu.memory_space<semaphore_mem>>, %arg14: memref<!tpu.dma_semaphore, #tpu.memory_space<semaphore_mem>>) attributes {dimension_semantics = [#tpu.dimension_semantics<core_parallel>, #tpu.dimension_semantics<subcore_parallel>], iteration_bounds = array<i64: 2, 16>, scalar_prefetch = 0 : i64, scratch_operands = 8 : i64, tpu.core_type = #tpu.core_type<sc_vector_subcore>, window_params = [{transform_indices = #map}, {transform_indices = #map1}, {transform_indices = #map}, {transform_indices = #map}, {transform_indices = #map}]} {
    %mul3A = arith.constant 2 : i32
    %mul3A_0 = arith.muli %arg1, %mul3A : i32
    %add3A = arith.addi %mul3A_0, %arg0 : i32
    %mul3A_1 = arith.constant 512 : i32
    %mul3A_2 = arith.muli %add3A, %mul3A_1 : i32
    %dma_start3A = tpu.memref_slice %arg5[%mul3A_2] : memref<16384xi32, #tpu.memory_space<hbm>> -> memref<512xi32, #tpu.memory_space<hbm>>
    %dma_start3A_3 = tpu.memref_slice %arg5[%mul3A_2] : memref<16384xi32, #tpu.memory_space<hbm>> -> memref<512xi32, #tpu.memory_space<hbm>>
    tpu.enqueue_dma source(%dma_start3A_3 : memref<512xi32, #tpu.memory_space<hbm>>) target(%arg7 : memref<512xi32, #tpu.memory_space<vmem>>) target_semaphore(%arg10 : memref<!tpu.dma_semaphore, #tpu.memory_space<semaphore_mem>>)
    %dma_start3A_4 = arith.constant 0 : i32
    %dma_start3A_5 = arith.constant 0 : i32
    %dma_start3A_6 = tpu.memref_slice %arg9[%dma_start3A_5] : memref<16xf32, #tpu.memory_space<vmem>> -> memref<1xf32, #tpu.memory_space<vmem>>
    %dma_start3A_7 = arith.constant 0 : i32
    %dma_start3A_8 = tpu.memref_slice %arg3[%dma_start3A_4, %dma_start3A_7] : memref<1x1xf32, #tpu.memory_space<hbm>> -> memref<1x1xf32, #tpu.memory_space<hbm>>
    %dma_start3A_9 = tpu.memref_squeeze %dma_start3A_8 : memref<1x1xf32, #tpu.memory_space<hbm>> -> memref<1xf32, #tpu.memory_space<hbm>>
    %dma_start3A_10 = arith.constant 0 : i32
    %dma_start3A_11 = tpu.memref_slice %arg9[%dma_start3A_10] : memref<16xf32, #tpu.memory_space<vmem>> -> memref<1xf32, #tpu.memory_space<vmem>>
    %dma_start3A_12 = arith.constant 0 : i32
    %dma_start3A_13 = tpu.memref_slice %arg3[%dma_start3A_4, %dma_start3A_12] : memref<1x1xf32, #tpu.memory_space<hbm>> -> memref<1x1xf32, #tpu.memory_space<hbm>>
    %dma_start3A_14 = tpu.memref_squeeze %dma_start3A_13 : memref<1x1xf32, #tpu.memory_space<hbm>> -> memref<1xf32, #tpu.memory_space<hbm>>
    tpu.enqueue_dma source(%dma_start3A_14 : memref<1xf32, #tpu.memory_space<hbm>>) target(%dma_start3A_11 : memref<1xf32, #tpu.memory_space<vmem>>) target_semaphore(%arg12 : memref<!tpu.dma_semaphore, #tpu.memory_space<semaphore_mem>>)
    %dma_start3A_15 = arith.constant 8 : i32
    %dma_start3A_16 = tpu.memref_slice %arg9[%dma_start3A_15] : memref<16xf32, #tpu.memory_space<vmem>> -> memref<1xf32, #tpu.memory_space<vmem>>
    %dma_start3A_17 = arith.constant 8 : i32
    %dma_start3A_18 = tpu.memref_slice %arg9[%dma_start3A_17] : memref<16xf32, #tpu.memory_space<vmem>> -> memref<1xf32, #tpu.memory_space<vmem>>
    tpu.enqueue_dma source(%arg4 : memref<1xf32, #tpu.memory_space<hbm>>) target(%dma_start3A_18 : memref<1xf32, #tpu.memory_space<vmem>>) target_semaphore(%arg12 : memref<!tpu.dma_semaphore, #tpu.memory_space<semaphore_mem>>)
    %dma_wait3A = tpu.memref_slice %arg5[%mul3A_2] : memref<16384xi32, #tpu.memory_space<hbm>> -> memref<512xi32, #tpu.memory_space<hbm>>
    %dma_wait3A_19 = tpu.memref_slice %arg5[%mul3A_2] : memref<16384xi32, #tpu.memory_space<hbm>> -> memref<512xi32, #tpu.memory_space<hbm>>
    tpu.wait_dma2 semaphore(%arg10 : memref<!tpu.dma_semaphore, #tpu.memory_space<semaphore_mem>>) src(%dma_wait3A_19 : memref<512xi32, #tpu.memory_space<hbm>>) dst(%arg7 : memref<512xi32, #tpu.memory_space<vmem>>)
    %dma_start3A_20 = arith.constant 0 : i32
    %dma_start3A_21 = tpu.memref_slice %arg8[%dma_start3A_20] : memref<512xf32, #tpu.memory_space<vmem>> -> memref<256xf32, #tpu.memory_space<vmem>>
    %dma_start3A_22 = arith.constant 0 : i32
    %dma_start3A_23 = tpu.memref_slice %arg7[%dma_start3A_22] : memref<512xi32, #tpu.memory_space<vmem>> -> memref<256xi32, #tpu.memory_space<vmem>>
    %dma_start3A_24 = arith.constant 0 : i32
    %dma_start3A_25 = tpu.memref_slice %arg2[%dma_start3A_24] : memref<1000000xf32, #tpu.memory_space<hbm>> -> memref<1000000xf32, #tpu.memory_space<hbm>>
    tpu.enqueue_indirect_dma source(%dma_start3A_25 : memref<1000000xf32, #tpu.memory_space<hbm>>) target(%dma_start3A_21 : memref<256xf32, #tpu.memory_space<vmem>>) offsets(%dma_start3A_23 : memref<256xi32, #tpu.memory_space<vmem>>) semaphore(%arg13 : memref<!tpu.dma_semaphore, #tpu.memory_space<semaphore_mem>>)
    %dma_start3A_26 = arith.constant 256 : i32
    %dma_start3A_27 = tpu.memref_slice %arg8[%dma_start3A_26] : memref<512xf32, #tpu.memory_space<vmem>> -> memref<256xf32, #tpu.memory_space<vmem>>
    %dma_start3A_28 = arith.constant 256 : i32
    %dma_start3A_29 = tpu.memref_slice %arg7[%dma_start3A_28] : memref<512xi32, #tpu.memory_space<vmem>> -> memref<256xi32, #tpu.memory_space<vmem>>
    %dma_start3A_30 = arith.constant 0 : i32
    %dma_start3A_31 = tpu.memref_slice %arg2[%dma_start3A_30] : memref<1000000xf32, #tpu.memory_space<hbm>> -> memref<1000000xf32, #tpu.memory_space<hbm>>
    tpu.enqueue_indirect_dma source(%dma_start3A_31 : memref<1000000xf32, #tpu.memory_space<hbm>>) target(%dma_start3A_27 : memref<256xf32, #tpu.memory_space<vmem>>) offsets(%dma_start3A_29 : memref<256xi32, #tpu.memory_space<vmem>>) semaphore(%arg14 : memref<!tpu.dma_semaphore, #tpu.memory_space<semaphore_mem>>)
    %dma_wait3A_32 = arith.constant 0 : i32
    %dma_wait3A_33 = arith.constant 0 : i32
    %dma_wait3A_34 = tpu.memref_slice %arg9[%dma_wait3A_33] : memref<16xf32, #tpu.memory_space<vmem>> -> memref<1xf32, #tpu.memory_space<vmem>>
    %dma_wait3A_35 = arith.constant 0 : i32
    %dma_wait3A_36 = tpu.memref_slice %arg3[%dma_wait3A_32, %dma_wait3A_35] : memref<1x1xf32, #tpu.memory_space<hbm>> -> memref<1x1xf32, #tpu.memory_space<hbm>>
    %dma_wait3A_37 = tpu.memref_squeeze %dma_wait3A_36 : memref<1x1xf32, #tpu.memory_space<hbm>> -> memref<1xf32, #tpu.memory_space<hbm>>
    %dma_wait3A_38 = arith.constant 0 : i32
    %dma_wait3A_39 = tpu.memref_slice %arg9[%dma_wait3A_38] : memref<16xf32, #tpu.memory_space<vmem>> -> memref<1xf32, #tpu.memory_space<vmem>>
    %dma_wait3A_40 = arith.constant 0 : i32
    %dma_wait3A_41 = tpu.memref_slice %arg3[%dma_wait3A_32, %dma_wait3A_40] : memref<1x1xf32, #tpu.memory_space<hbm>> -> memref<1x1xf32, #tpu.memory_space<hbm>>
    %dma_wait3A_42 = tpu.memref_squeeze %dma_wait3A_41 : memref<1x1xf32, #tpu.memory_space<hbm>> -> memref<1xf32, #tpu.memory_space<hbm>>
    tpu.wait_dma2 semaphore(%arg12 : memref<!tpu.dma_semaphore, #tpu.memory_space<semaphore_mem>>) src(%dma_wait3A_42 : memref<1xf32, #tpu.memory_space<hbm>>) dst(%dma_wait3A_39 : memref<1xf32, #tpu.memory_space<vmem>>)
    %dma_wait3A_43 = arith.constant 8 : i32
    %dma_wait3A_44 = tpu.memref_slice %arg9[%dma_wait3A_43] : memref<16xf32, #tpu.memory_space<vmem>> -> memref<1xf32, #tpu.memory_space<vmem>>
    %dma_wait3A_45 = arith.constant 8 : i32
    %dma_wait3A_46 = tpu.memref_slice %arg9[%dma_wait3A_45] : memref<16xf32, #tpu.memory_space<vmem>> -> memref<1xf32, #tpu.memory_space<vmem>>
    tpu.wait_dma2 semaphore(%arg12 : memref<!tpu.dma_semaphore, #tpu.memory_space<semaphore_mem>>) src(%arg4 : memref<1xf32, #tpu.memory_space<hbm>>) dst(%dma_wait3A_46 : memref<1xf32, #tpu.memory_space<vmem>>)
    %get3A = arith.constant 0 : index
    %get3A_47 = tpu.vector_load %arg9[%get3A] {strides = array<i32>} : memref<16xf32, #tpu.memory_space<vmem>>, vector<16xf32>,
    %get3A_48 = vector.shape_cast %get3A_47 : vector<16xf32> to vector<16xf32>
    %slice3A = vector.extract_strided_slice %get3A_48 {offsets = [0], sizes = [1], strides = [1]} : vector<16xf32> to vector<1xf32>
    %squeeze3A = vector.extract %slice3A[0] : f32 from vector<1xf32>
    %broadcast_in_dim3A = vector.broadcast %squeeze3A : f32 to vector<16xf32>
    %slice3A_49 = vector.extract_strided_slice %get3A_48 {offsets = [8], sizes = [1], strides = [1]} : vector<16xf32> to vector<1xf32>
    %squeeze3A_50 = vector.extract %slice3A_49[0] : f32 from vector<1xf32>
    %broadcast_in_dim3A_51 = vector.broadcast %squeeze3A_50 : f32 to vector<16xf32>
    %dma_wait3A_52 = arith.constant 0 : i32
    %dma_wait3A_53 = tpu.memref_slice %arg8[%dma_wait3A_52] : memref<512xf32, #tpu.memory_space<vmem>> -> memref<256xf32, #tpu.memory_space<vmem>>
    %dma_wait3A_54 = arith.constant 0 : i32
    %dma_wait3A_55 = tpu.memref_slice %arg7[%dma_wait3A_54] : memref<512xi32, #tpu.memory_space<vmem>> -> memref<256xi32, #tpu.memory_space<vmem>>
    %dma_wait3A_56 = arith.constant 0 : i32
    %dma_wait3A_57 = tpu.memref_slice %arg2[%dma_wait3A_56] : memref<1000000xf32, #tpu.memory_space<hbm>> -> memref<1000000xf32, #tpu.memory_space<hbm>>
    tpu.wait_indirect_dma semaphore(%arg13 : memref<!tpu.dma_semaphore, #tpu.memory_space<semaphore_mem>>) src(%dma_wait3A_57 : memref<1000000xf32, #tpu.memory_space<hbm>>) dst(%dma_wait3A_53 : memref<256xf32, #tpu.memory_space<vmem>>)
    %get3A_58 = arith.constant 0 : index
    %get3A_59 = tpu.vector_load %arg8[%get3A_58] {strides = array<i32>} : memref<512xf32, #tpu.memory_space<vmem>>, vector<16xf32>,
    %get3A_60 = vector.shape_cast %get3A_59 : vector<16xf32> to vector<16xf32>
    %mul3A_61 = arith.mulf %get3A_60, %broadcast_in_dim3A : vector<16xf32>
    %add3A_62 = arith.addf %mul3A_61, %broadcast_in_dim3A_51 : vector<16xf32>
    %swap3A = arith.constant 0 : index
    %swap3A_63 = tpu.vector_load %arg8[%swap3A] {strides = array<i32>} : memref<512xf32, #tpu.memory_space<vmem>>, vector<16xf32>,
    %swap3A_64 = vector.shape_cast %swap3A_63 : vector<16xf32> to vector<16xf32>
    %swap3A_65 = vector.shape_cast %add3A_62 : vector<16xf32> to vector<16xf32>
    tpu.vector_store %arg8[%swap3A], %swap3A_65 {strides = array<i32>} : memref<512xf32, #tpu.memory_space<vmem>>, vector<16xf32>,
    %get3A_66 = arith.constant 16 : index
    %get3A_67 = tpu.vector_load %arg8[%get3A_66] {strides = array<i32>} : memref<512xf32, #tpu.memory_space<vmem>>, vector<16xf32>,
    %get3A_68 = vector.shape_cast %get3A_67 : vector<16xf32> to vector<16xf32>
    %mul3A_69 = arith.mulf %get3A_68, %broadcast_in_dim3A : vector<16xf32>
    %add3A_70 = arith.addf %mul3A_69, %broadcast_in_dim3A_51 : vector<16xf32>
    %swap3A_71 = arith.constant 16 : index
    %swap3A_72 = tpu.vector_load %arg8[%swap3A_71] {strides = array<i32>} : memref<512xf32, #tpu.memory_space<vmem>>, vector<16xf32>,
    %swap3A_73 = vector.shape_cast %swap3A_72 : vector<16xf32> to vector<16xf32>
    %swap3A_74 = vector.shape_cast %add3A_70 : vector<16xf32> to vector<16xf32>
    tpu.vector_store %arg8[%swap3A_71], %swap3A_74 {strides = array<i32>} : memref<512xf32, #tpu.memory_space<vmem>>, vector<16xf32>,
    %get3A_75 = arith.constant 32 : index
    %get3A_76 = tpu.vector_load %arg8[%get3A_75] {strides = array<i32>} : memref<512xf32, #tpu.memory_space<vmem>>, vector<16xf32>,
    %get3A_77 = vector.shape_cast %get3A_76 : vector<16xf32> to vector<16xf32>
    %mul3A_78 = arith.mulf %get3A_77, %broadcast_in_dim3A : vector<16xf32>
    %add3A_79 = arith.addf %mul3A_78, %broadcast_in_dim3A_51 : vector<16xf32>
    %swap3A_80 = arith.constant 32 : index
    %swap3A_81 = tpu.vector_load %arg8[%swap3A_80] {strides = array<i32>} : memref<512xf32, #tpu.memory_space<vmem>>, vector<16xf32>,
    %swap3A_82 = vector.shape_cast %swap3A_81 : vector<16xf32> to vector<16xf32>
    %swap3A_83 = vector.shape_cast %add3A_79 : vector<16xf32> to vector<16xf32>
    tpu.vector_store %arg8[%swap3A_80], %swap3A_83 {strides = array<i32>} : memref<512xf32, #tpu.memory_space<vmem>>, vector<16xf32>,
    %get3A_84 = arith.constant 48 : index
    %get3A_85 = tpu.vector_load %arg8[%get3A_84] {strides = array<i32>} : memref<512xf32, #tpu.memory_space<vmem>>, vector<16xf32>,
    %get3A_86 = vector.shape_cast %get3A_85 : vector<16xf32> to vector<16xf32>
    %mul3A_87 = arith.mulf %get3A_86, %broadcast_in_dim3A : vector<16xf32>
    %add3A_88 = arith.addf %mul3A_87, %broadcast_in_dim3A_51 : vector<16xf32>
    %swap3A_89 = arith.constant 48 : index
    %swap3A_90 = tpu.vector_load %arg8[%swap3A_89] {strides = array<i32>} : memref<512xf32, #tpu.memory_space<vmem>>, vector<16xf32>,
    %swap3A_91 = vector.shape_cast %swap3A_90 : vector<16xf32> to vector<16xf32>
    %swap3A_92 = vector.shape_cast %add3A_88 : vector<16xf32> to vector<16xf32>
    tpu.vector_store %arg8[%swap3A_89], %swap3A_92 {strides = array<i32>} : memref<512xf32, #tpu.memory_space<vmem>>, vector<16xf32>,
    %get3A_93 = arith.constant 64 : index
    %get3A_94 = tpu.vector_load %arg8[%get3A_93] {strides = array<i32>} : memref<512xf32, #tpu.memory_space<vmem>>, vector<16xf32>,
    %get3A_95 = vector.shape_cast %get3A_94 : vector<16xf32> to vector<16xf32>
    %mul3A_96 = arith.mulf %get3A_95, %broadcast_in_dim3A : vector<16xf32>
    %add3A_97 = arith.addf %mul3A_96, %broadcast_in_dim3A_51 : vector<16xf32>
    %swap3A_98 = arith.constant 64 : index
    %swap3A_99 = tpu.vector_load %arg8[%swap3A_98] {strides = array<i32>} : memref<512xf32, #tpu.memory_space<vmem>>, vector<16xf32>,
    %swap3A_100 = vector.shape_cast %swap3A_99 : vector<16xf32> to vector<16xf32>
    %swap3A_101 = vector.shape_cast %add3A_97 : vector<16xf32> to vector<16xf32>
    tpu.vector_store %arg8[%swap3A_98], %swap3A_101 {strides = array<i32>} : memref<512xf32, #tpu.memory_space<vmem>>, vector<16xf32>,
    %get3A_102 = arith.constant 80 : index
    %get3A_103 = tpu.vector_load %arg8[%get3A_102] {strides = array<i32>} : memref<512xf32, #tpu.memory_space<vmem>>, vector<16xf32>,
    %get3A_104 = vector.shape_cast %get3A_103 : vector<16xf32> to vector<16xf32>
    %mul3A_105 = arith.mulf %get3A_104, %broadcast_in_dim3A : vector<16xf32>
    %add3A_106 = arith.addf %mul3A_105, %broadcast_in_dim3A_51 : vector<16xf32>
    %swap3A_107 = arith.constant 80 : index
    %swap3A_108 = tpu.vector_load %arg8[%swap3A_107] {strides = array<i32>} : memref<512xf32, #tpu.memory_space<vmem>>, vector<16xf32>,
    %swap3A_109 = vector.shape_cast %swap3A_108 : vector<16xf32> to vector<16xf32>
    %swap3A_110 = vector.shape_cast %add3A_106 : vector<16xf32> to vector<16xf32>
    tpu.vector_store %arg8[%swap3A_107], %swap3A_110 {strides = array<i32>} : memref<512xf32, #tpu.memory_space<vmem>>, vector<16xf32>,
    %get3A_111 = arith.constant 96 : index
    %get3A_112 = tpu.vector_load %arg8[%get3A_111] {strides = array<i32>} : memref<512xf32, #tpu.memory_space<vmem>>, vector<16xf32>,
    %get3A_113 = vector.shape_cast %get3A_112 : vector<16xf32> to vector<16xf32>
    %mul3A_114 = arith.mulf %get3A_113, %broadcast_in_dim3A : vector<16xf32>
    %add3A_115 = arith.addf %mul3A_114, %broadcast_in_dim3A_51 : vector<16xf32>
    %swap3A_116 = arith.constant 96 : index
    %swap3A_117 = tpu.vector_load %arg8[%swap3A_116] {strides = array<i32>} : memref<512xf32, #tpu.memory_space<vmem>>, vector<16xf32>,
    %swap3A_118 = vector.shape_cast %swap3A_117 : vector<16xf32> to vector<16xf32>
    %swap3A_119 = vector.shape_cast %add3A_115 : vector<16xf32> to vector<16xf32>
    tpu.vector_store %arg8[%swap3A_116], %swap3A_119 {strides = array<i32>} : memref<512xf32, #tpu.memory_space<vmem>>, vector<16xf32>,
    %get3A_120 = arith.constant 112 : index
    %get3A_121 = tpu.vector_load %arg8[%get3A_120] {strides = array<i32>} : memref<512xf32, #tpu.memory_space<vmem>>, vector<16xf32>,
    %get3A_122 = vector.shape_cast %get3A_121 : vector<16xf32> to vector<16xf32>
    %mul3A_123 = arith.mulf %get3A_122, %broadcast_in_dim3A : vector<16xf32>
    %add3A_124 = arith.addf %mul3A_123, %broadcast_in_dim3A_51 : vector<16xf32>
    %swap3A_125 = arith.constant 112 : index
    %swap3A_126 = tpu.vector_load %arg8[%swap3A_125] {strides = array<i32>} : memref<512xf32, #tpu.memory_space<vmem>>, vector<16xf32>,
    %swap3A_127 = vector.shape_cast %swap3A_126 : vector<16xf32> to vector<16xf32>
    %swap3A_128 = vector.shape_cast %add3A_124 : vector<16xf32> to vector<16xf32>
    tpu.vector_store %arg8[%swap3A_125], %swap3A_128 {strides = array<i32>} : memref<512xf32, #tpu.memory_space<vmem>>, vector<16xf32>,
    %get3A_129 = arith.constant 128 : index
    %get3A_130 = tpu.vector_load %arg8[%get3A_129] {strides = array<i32>} : memref<512xf32, #tpu.memory_space<vmem>>, vector<16xf32>,
    %get3A_131 = vector.shape_cast %get3A_130 : vector<16xf32> to vector<16xf32>
    %mul3A_132 = arith.mulf %get3A_131, %broadcast_in_dim3A : vector<16xf32>
    %add3A_133 = arith.addf %mul3A_132, %broadcast_in_dim3A_51 : vector<16xf32>
    %swap3A_134 = arith.constant 128 : index
    %swap3A_135 = tpu.vector_load %arg8[%swap3A_134] {strides = array<i32>} : memref<512xf32, #tpu.memory_space<vmem>>, vector<16xf32>,
    %swap3A_136 = vector.shape_cast %swap3A_135 : vector<16xf32> to vector<16xf32>
    %swap3A_137 = vector.shape_cast %add3A_133 : vector<16xf32> to vector<16xf32>
    tpu.vector_store %arg8[%swap3A_134], %swap3A_137 {strides = array<i32>} : memref<512xf32, #tpu.memory_space<vmem>>, vector<16xf32>,
    %get3A_138 = arith.constant 144 : index
    %get3A_139 = tpu.vector_load %arg8[%get3A_138] {strides = array<i32>} : memref<512xf32, #tpu.memory_space<vmem>>, vector<16xf32>,
    %get3A_140 = vector.shape_cast %get3A_139 : vector<16xf32> to vector<16xf32>
    %mul3A_141 = arith.mulf %get3A_140, %broadcast_in_dim3A : vector<16xf32>
    %add3A_142 = arith.addf %mul3A_141, %broadcast_in_dim3A_51 : vector<16xf32>
    %swap3A_143 = arith.constant 144 : index
    %swap3A_144 = tpu.vector_load %arg8[%swap3A_143] {strides = array<i32>} : memref<512xf32, #tpu.memory_space<vmem>>, vector<16xf32>,
    %swap3A_145 = vector.shape_cast %swap3A_144 : vector<16xf32> to vector<16xf32>
    %swap3A_146 = vector.shape_cast %add3A_142 : vector<16xf32> to vector<16xf32>
    tpu.vector_store %arg8[%swap3A_143], %swap3A_146 {strides = array<i32>} : memref<512xf32, #tpu.memory_space<vmem>>, vector<16xf32>,
    %get3A_147 = arith.constant 160 : index
    %get3A_148 = tpu.vector_load %arg8[%get3A_147] {strides = array<i32>} : memref<512xf32, #tpu.memory_space<vmem>>, vector<16xf32>,
    %get3A_149 = vector.shape_cast %get3A_148 : vector<16xf32> to vector<16xf32>
    %mul3A_150 = arith.mulf %get3A_149, %broadcast_in_dim3A : vector<16xf32>
    %add3A_151 = arith.addf %mul3A_150, %broadcast_in_dim3A_51 : vector<16xf32>
    %swap3A_152 = arith.constant 160 : index
    %swap3A_153 = tpu.vector_load %arg8[%swap3A_152] {strides = array<i32>} : memref<512xf32, #tpu.memory_space<vmem>>, vector<16xf32>,
    %swap3A_154 = vector.shape_cast %swap3A_153 : vector<16xf32> to vector<16xf32>
    %swap3A_155 = vector.shape_cast %add3A_151 : vector<16xf32> to vector<16xf32>
    tpu.vector_store %arg8[%swap3A_152], %swap3A_155 {strides = array<i32>} : memref<512xf32, #tpu.memory_space<vmem>>, vector<16xf32>,
    %get3A_156 = arith.constant 176 : index
    %get3A_157 = tpu.vector_load %arg8[%get3A_156] {strides = array<i32>} : memref<512xf32, #tpu.memory_space<vmem>>, vector<16xf32>,
    %get3A_158 = vector.shape_cast %get3A_157 : vector<16xf32> to vector<16xf32>
    %mul3A_159 = arith.mulf %get3A_158, %broadcast_in_dim3A : vector<16xf32>
    %add3A_160 = arith.addf %mul3A_159, %broadcast_in_dim3A_51 : vector<16xf32>
    %swap3A_161 = arith.constant 176 : index
    %swap3A_162 = tpu.vector_load %arg8[%swap3A_161] {strides = array<i32>} : memref<512xf32, #tpu.memory_space<vmem>>, vector<16xf32>,
    %swap3A_163 = vector.shape_cast %swap3A_162 : vector<16xf32> to vector<16xf32>
    %swap3A_164 = vector.shape_cast %add3A_160 : vector<16xf32> to vector<16xf32>
    tpu.vector_store %arg8[%swap3A_161], %swap3A_164 {strides = array<i32>} : memref<512xf32, #tpu.memory_space<vmem>>, vector<16xf32>,
    %get3A_165 = arith.constant 192 : index
    %get3A_166 = tpu.vector_load %arg8[%get3A_165] {strides = array<i32>} : memref<512xf32, #tpu.memory_space<vmem>>, vector<16xf32>,
    %get3A_167 = vector.shape_cast %get3A_166 : vector<16xf32> to vector<16xf32>
    %mul3A_168 = arith.mulf %get3A_167, %broadcast_in_dim3A : vector<16xf32>
    %add3A_169 = arith.addf %mul3A_168, %broadcast_in_dim3A_51 : vector<16xf32>
    %swap3A_170 = arith.constant 192 : index
    %swap3A_171 = tpu.vector_load %arg8[%swap3A_170] {strides = array<i32>} : memref<512xf32, #tpu.memory_space<vmem>>, vector<16xf32>,
    %swap3A_172 = vector.shape_cast %swap3A_171 : vector<16xf32> to vector<16xf32>
    %swap3A_173 = vector.shape_cast %add3A_169 : vector<16xf32> to vector<16xf32>
    tpu.vector_store %arg8[%swap3A_170], %swap3A_173 {strides = array<i32>} : memref<512xf32, #tpu.memory_space<vmem>>, vector<16xf32>,
    %get3A_174 = arith.constant 208 : index
    %get3A_175 = tpu.vector_load %arg8[%get3A_174] {strides = array<i32>} : memref<512xf32, #tpu.memory_space<vmem>>, vector<16xf32>,
    %get3A_176 = vector.shape_cast %get3A_175 : vector<16xf32> to vector<16xf32>
    %mul3A_177 = arith.mulf %get3A_176, %broadcast_in_dim3A : vector<16xf32>
    %add3A_178 = arith.addf %mul3A_177, %broadcast_in_dim3A_51 : vector<16xf32>
    %swap3A_179 = arith.constant 208 : index
    %swap3A_180 = tpu.vector_load %arg8[%swap3A_179] {strides = array<i32>} : memref<512xf32, #tpu.memory_space<vmem>>, vector<16xf32>,
    %swap3A_181 = vector.shape_cast %swap3A_180 : vector<16xf32> to vector<16xf32>
    %swap3A_182 = vector.shape_cast %add3A_178 : vector<16xf32> to vector<16xf32>
    tpu.vector_store %arg8[%swap3A_179], %swap3A_182 {strides = array<i32>} : memref<512xf32, #tpu.memory_space<vmem>>, vector<16xf32>,
    %get3A_183 = arith.constant 224 : index
    %get3A_184 = tpu.vector_load %arg8[%get3A_183] {strides = array<i32>} : memref<512xf32, #tpu.memory_space<vmem>>, vector<16xf32>,
    %get3A_185 = vector.shape_cast %get3A_184 : vector<16xf32> to vector<16xf32>
    %mul3A_186 = arith.mulf %get3A_185, %broadcast_in_dim3A : vector<16xf32>
    %add3A_187 = arith.addf %mul3A_186, %broadcast_in_dim3A_51 : vector<16xf32>
    %swap3A_188 = arith.constant 224 : index
    %swap3A_189 = tpu.vector_load %arg8[%swap3A_188] {strides = array<i32>} : memref<512xf32, #tpu.memory_space<vmem>>, vector<16xf32>,
    %swap3A_190 = vector.shape_cast %swap3A_189 : vector<16xf32> to vector<16xf32>
    %swap3A_191 = vector.shape_cast %add3A_187 : vector<16xf32> to vector<16xf32>
    tpu.vector_store %arg8[%swap3A_188], %swap3A_191 {strides = array<i32>} : memref<512xf32, #tpu.memory_space<vmem>>, vector<16xf32>,
    %get3A_192 = arith.constant 240 : index
    %get3A_193 = tpu.vector_load %arg8[%get3A_192] {strides = array<i32>} : memref<512xf32, #tpu.memory_space<vmem>>, vector<16xf32>,
    %get3A_194 = vector.shape_cast %get3A_193 : vector<16xf32> to vector<16xf32>
    %mul3A_195 = arith.mulf %get3A_194, %broadcast_in_dim3A : vector<16xf32>
    %add3A_196 = arith.addf %mul3A_195, %broadcast_in_dim3A_51 : vector<16xf32>
    %swap3A_197 = arith.constant 240 : index
    %swap3A_198 = tpu.vector_load %arg8[%swap3A_197] {strides = array<i32>} : memref<512xf32, #tpu.memory_space<vmem>>, vector<16xf32>,
    %swap3A_199 = vector.shape_cast %swap3A_198 : vector<16xf32> to vector<16xf32>
    %swap3A_200 = vector.shape_cast %add3A_196 : vector<16xf32> to vector<16xf32>
    tpu.vector_store %arg8[%swap3A_197], %swap3A_200 {strides = array<i32>} : memref<512xf32, #tpu.memory_space<vmem>>, vector<16xf32>,
    %add3A_201 = arith.constant 0 : i32
    %add3A_202 = arith.addi %mul3A_2, %add3A_201 : i32
    %dma_start3A_203 = arith.constant 0 : i32
    %dma_start3A_204 = tpu.memref_slice %arg8[%dma_start3A_203] : memref<512xf32, #tpu.memory_space<vmem>> -> memref<256xf32, #tpu.memory_space<vmem>>
    %dma_start3A_205 = tpu.memref_slice %arg6[%add3A_202] : memref<16384xf32, #tpu.memory_space<hbm>> -> memref<256xf32, #tpu.memory_space<hbm>>
    %dma_start3A_206 = tpu.memref_slice %arg6[%add3A_202] : memref<16384xf32, #tpu.memory_space<hbm>> -> memref<256xf32, #tpu.memory_space<hbm>>
    %dma_start3A_207 = arith.constant 0 : i32
    %dma_start3A_208 = tpu.memref_slice %arg8[%dma_start3A_207] : memref<512xf32, #tpu.memory_space<vmem>> -> memref<256xf32, #tpu.memory_space<vmem>>
    tpu.enqueue_dma source(%dma_start3A_208 : memref<256xf32, #tpu.memory_space<vmem>>) target(%dma_start3A_206 : memref<256xf32, #tpu.memory_space<hbm>>) target_semaphore(%arg11 : memref<!tpu.dma_semaphore, #tpu.memory_space<semaphore_mem>>)
    %dma_wait3A_209 = arith.constant 256 : i32
    %dma_wait3A_210 = tpu.memref_slice %arg8[%dma_wait3A_209] : memref<512xf32, #tpu.memory_space<vmem>> -> memref<256xf32, #tpu.memory_space<vmem>>
    %dma_wait3A_211 = arith.constant 256 : i32
    %dma_wait3A_212 = tpu.memref_slice %arg7[%dma_wait3A_211] : memref<512xi32, #tpu.memory_space<vmem>> -> memref<256xi32, #tpu.memory_space<vmem>>
    %dma_wait3A_213 = arith.constant 0 : i32
    %dma_wait3A_214 = tpu.memref_slice %arg2[%dma_wait3A_213] : memref<1000000xf32, #tpu.memory_space<hbm>> -> memref<1000000xf32, #tpu.memory_space<hbm>>
    tpu.wait_indirect_dma semaphore(%arg14 : memref<!tpu.dma_semaphore, #tpu.memory_space<semaphore_mem>>) src(%dma_wait3A_214 : memref<1000000xf32, #tpu.memory_space<hbm>>) dst(%dma_wait3A_210 : memref<256xf32, #tpu.memory_space<vmem>>)
    %get3A_215 = arith.constant 256 : index
    %get3A_216 = tpu.vector_load %arg8[%get3A_215] {strides = array<i32>} : memref<512xf32, #tpu.memory_space<vmem>>, vector<16xf32>,
    %get3A_217 = vector.shape_cast %get3A_216 : vector<16xf32> to vector<16xf32>
    %mul3A_218 = arith.mulf %get3A_217, %broadcast_in_dim3A : vector<16xf32>
    %add3A_219 = arith.addf %mul3A_218, %broadcast_in_dim3A_51 : vector<16xf32>
    %swap3A_220 = arith.constant 256 : index
    %swap3A_221 = tpu.vector_load %arg8[%swap3A_220] {strides = array<i32>} : memref<512xf32, #tpu.memory_space<vmem>>, vector<16xf32>,
    %swap3A_222 = vector.shape_cast %swap3A_221 : vector<16xf32> to vector<16xf32>
    %swap3A_223 = vector.shape_cast %add3A_219 : vector<16xf32> to vector<16xf32>
    tpu.vector_store %arg8[%swap3A_220], %swap3A_223 {strides = array<i32>} : memref<512xf32, #tpu.memory_space<vmem>>, vector<16xf32>,
    %get3A_224 = arith.constant 272 : index
    %get3A_225 = tpu.vector_load %arg8[%get3A_224] {strides = array<i32>} : memref<512xf32, #tpu.memory_space<vmem>>, vector<16xf32>,
    %get3A_226 = vector.shape_cast %get3A_225 : vector<16xf32> to vector<16xf32>
    %mul3A_227 = arith.mulf %get3A_226, %broadcast_in_dim3A : vector<16xf32>
    %add3A_228 = arith.addf %mul3A_227, %broadcast_in_dim3A_51 : vector<16xf32>
    %swap3A_229 = arith.constant 272 : index
    %swap3A_230 = tpu.vector_load %arg8[%swap3A_229] {strides = array<i32>} : memref<512xf32, #tpu.memory_space<vmem>>, vector<16xf32>,
    %swap3A_231 = vector.shape_cast %swap3A_230 : vector<16xf32> to vector<16xf32>
    %swap3A_232 = vector.shape_cast %add3A_228 : vector<16xf32> to vector<16xf32>
    tpu.vector_store %arg8[%swap3A_229], %swap3A_232 {strides = array<i32>} : memref<512xf32, #tpu.memory_space<vmem>>, vector<16xf32>,
    %get3A_233 = arith.constant 288 : index
    %get3A_234 = tpu.vector_load %arg8[%get3A_233] {strides = array<i32>} : memref<512xf32, #tpu.memory_space<vmem>>, vector<16xf32>,
    %get3A_235 = vector.shape_cast %get3A_234 : vector<16xf32> to vector<16xf32>
    %mul3A_236 = arith.mulf %get3A_235, %broadcast_in_dim3A : vector<16xf32>
    %add3A_237 = arith.addf %mul3A_236, %broadcast_in_dim3A_51 : vector<16xf32>
    %swap3A_238 = arith.constant 288 : index
    %swap3A_239 = tpu.vector_load %arg8[%swap3A_238] {strides = array<i32>} : memref<512xf32, #tpu.memory_space<vmem>>, vector<16xf32>,
    %swap3A_240 = vector.shape_cast %swap3A_239 : vector<16xf32> to vector<16xf32>
    %swap3A_241 = vector.shape_cast %add3A_237 : vector<16xf32> to vector<16xf32>
    tpu.vector_store %arg8[%swap3A_238], %swap3A_241 {strides = array<i32>} : memref<512xf32, #tpu.memory_space<vmem>>, vector<16xf32>,
    %get3A_242 = arith.constant 304 : index
    %get3A_243 = tpu.vector_load %arg8[%get3A_242] {strides = array<i32>} : memref<512xf32, #tpu.memory_space<vmem>>, vector<16xf32>,
    %get3A_244 = vector.shape_cast %get3A_243 : vector<16xf32> to vector<16xf32>
    %mul3A_245 = arith.mulf %get3A_244, %broadcast_in_dim3A : vector<16xf32>
    %add3A_246 = arith.addf %mul3A_245, %broadcast_in_dim3A_51 : vector<16xf32>
    %swap3A_247 = arith.constant 304 : index
    %swap3A_248 = tpu.vector_load %arg8[%swap3A_247] {strides = array<i32>} : memref<512xf32, #tpu.memory_space<vmem>>, vector<16xf32>,
    %swap3A_249 = vector.shape_cast %swap3A_248 : vector<16xf32> to vector<16xf32>
    %swap3A_250 = vector.shape_cast %add3A_246 : vector<16xf32> to vector<16xf32>
    tpu.vector_store %arg8[%swap3A_247], %swap3A_250 {strides = array<i32>} : memref<512xf32, #tpu.memory_space<vmem>>, vector<16xf32>,
    %get3A_251 = arith.constant 320 : index
    %get3A_252 = tpu.vector_load %arg8[%get3A_251] {strides = array<i32>} : memref<512xf32, #tpu.memory_space<vmem>>, vector<16xf32>,
    %get3A_253 = vector.shape_cast %get3A_252 : vector<16xf32> to vector<16xf32>
    %mul3A_254 = arith.mulf %get3A_253, %broadcast_in_dim3A : vector<16xf32>
    %add3A_255 = arith.addf %mul3A_254, %broadcast_in_dim3A_51 : vector<16xf32>
    %swap3A_256 = arith.constant 320 : index
    %swap3A_257 = tpu.vector_load %arg8[%swap3A_256] {strides = array<i32>} : memref<512xf32, #tpu.memory_space<vmem>>, vector<16xf32>,
    %swap3A_258 = vector.shape_cast %swap3A_257 : vector<16xf32> to vector<16xf32>
    %swap3A_259 = vector.shape_cast %add3A_255 : vector<16xf32> to vector<16xf32>
    tpu.vector_store %arg8[%swap3A_256], %swap3A_259 {strides = array<i32>} : memref<512xf32, #tpu.memory_space<vmem>>, vector<16xf32>,
    %get3A_260 = arith.constant 336 : index
    %get3A_261 = tpu.vector_load %arg8[%get3A_260] {strides = array<i32>} : memref<512xf32, #tpu.memory_space<vmem>>, vector<16xf32>,
    %get3A_262 = vector.shape_cast %get3A_261 : vector<16xf32> to vector<16xf32>
    %mul3A_263 = arith.mulf %get3A_262, %broadcast_in_dim3A : vector<16xf32>
    %add3A_264 = arith.addf %mul3A_263, %broadcast_in_dim3A_51 : vector<16xf32>
    %swap3A_265 = arith.constant 336 : index
    %swap3A_266 = tpu.vector_load %arg8[%swap3A_265] {strides = array<i32>} : memref<512xf32, #tpu.memory_space<vmem>>, vector<16xf32>,
    %swap3A_267 = vector.shape_cast %swap3A_266 : vector<16xf32> to vector<16xf32>
    %swap3A_268 = vector.shape_cast %add3A_264 : vector<16xf32> to vector<16xf32>
    tpu.vector_store %arg8[%swap3A_265], %swap3A_268 {strides = array<i32>} : memref<512xf32, #tpu.memory_space<vmem>>, vector<16xf32>,
    %get3A_269 = arith.constant 352 : index
    %get3A_270 = tpu.vector_load %arg8[%get3A_269] {strides = array<i32>} : memref<512xf32, #tpu.memory_space<vmem>>, vector<16xf32>,
    %get3A_271 = vector.shape_cast %get3A_270 : vector<16xf32> to vector<16xf32>
    %mul3A_272 = arith.mulf %get3A_271, %broadcast_in_dim3A : vector<16xf32>
    %add3A_273 = arith.addf %mul3A_272, %broadcast_in_dim3A_51 : vector<16xf32>
    %swap3A_274 = arith.constant 352 : index
    %swap3A_275 = tpu.vector_load %arg8[%swap3A_274] {strides = array<i32>} : memref<512xf32, #tpu.memory_space<vmem>>, vector<16xf32>,
    %swap3A_276 = vector.shape_cast %swap3A_275 : vector<16xf32> to vector<16xf32>
    %swap3A_277 = vector.shape_cast %add3A_273 : vector<16xf32> to vector<16xf32>
    tpu.vector_store %arg8[%swap3A_274], %swap3A_277 {strides = array<i32>} : memref<512xf32, #tpu.memory_space<vmem>>, vector<16xf32>,
    %get3A_278 = arith.constant 368 : index
    %get3A_279 = tpu.vector_load %arg8[%get3A_278] {strides = array<i32>} : memref<512xf32, #tpu.memory_space<vmem>>, vector<16xf32>,
    %get3A_280 = vector.shape_cast %get3A_279 : vector<16xf32> to vector<16xf32>
    %mul3A_281 = arith.mulf %get3A_280, %broadcast_in_dim3A : vector<16xf32>
    %add3A_282 = arith.addf %mul3A_281, %broadcast_in_dim3A_51 : vector<16xf32>
    %swap3A_283 = arith.constant 368 : index
    %swap3A_284 = tpu.vector_load %arg8[%swap3A_283] {strides = array<i32>} : memref<512xf32, #tpu.memory_space<vmem>>, vector<16xf32>,
    %swap3A_285 = vector.shape_cast %swap3A_284 : vector<16xf32> to vector<16xf32>
    %swap3A_286 = vector.shape_cast %add3A_282 : vector<16xf32> to vector<16xf32>
    tpu.vector_store %arg8[%swap3A_283], %swap3A_286 {strides = array<i32>} : memref<512xf32, #tpu.memory_space<vmem>>, vector<16xf32>,
    %get3A_287 = arith.constant 384 : index
    %get3A_288 = tpu.vector_load %arg8[%get3A_287] {strides = array<i32>} : memref<512xf32, #tpu.memory_space<vmem>>, vector<16xf32>,
    %get3A_289 = vector.shape_cast %get3A_288 : vector<16xf32> to vector<16xf32>
    %mul3A_290 = arith.mulf %get3A_289, %broadcast_in_dim3A : vector<16xf32>
    %add3A_291 = arith.addf %mul3A_290, %broadcast_in_dim3A_51 : vector<16xf32>
    %swap3A_292 = arith.constant 384 : index
    %swap3A_293 = tpu.vector_load %arg8[%swap3A_292] {strides = array<i32>} : memref<512xf32, #tpu.memory_space<vmem>>, vector<16xf32>,
    %swap3A_294 = vector.shape_cast %swap3A_293 : vector<16xf32> to vector<16xf32>
    %swap3A_295 = vector.shape_cast %add3A_291 : vector<16xf32> to vector<16xf32>
    tpu.vector_store %arg8[%swap3A_292], %swap3A_295 {strides = array<i32>} : memref<512xf32, #tpu.memory_space<vmem>>, vector<16xf32>,
    %get3A_296 = arith.constant 400 : index
    %get3A_297 = tpu.vector_load %arg8[%get3A_296] {strides = array<i32>} : memref<512xf32, #tpu.memory_space<vmem>>, vector<16xf32>,
    %get3A_298 = vector.shape_cast %get3A_297 : vector<16xf32> to vector<16xf32>
    %mul3A_299 = arith.mulf %get3A_298, %broadcast_in_dim3A : vector<16xf32>
    %add3A_300 = arith.addf %mul3A_299, %broadcast_in_dim3A_51 : vector<16xf32>
    %swap3A_301 = arith.constant 400 : index
    %swap3A_302 = tpu.vector_load %arg8[%swap3A_301] {strides = array<i32>} : memref<512xf32, #tpu.memory_space<vmem>>, vector<16xf32>,
    %swap3A_303 = vector.shape_cast %swap3A_302 : vector<16xf32> to vector<16xf32>
    %swap3A_304 = vector.shape_cast %add3A_300 : vector<16xf32> to vector<16xf32>
    tpu.vector_store %arg8[%swap3A_301], %swap3A_304 {strides = array<i32>} : memref<512xf32, #tpu.memory_space<vmem>>, vector<16xf32>,
    %get3A_305 = arith.constant 416 : index
    %get3A_306 = tpu.vector_load %arg8[%get3A_305] {strides = array<i32>} : memref<512xf32, #tpu.memory_space<vmem>>, vector<16xf32>,
    %get3A_307 = vector.shape_cast %get3A_306 : vector<16xf32> to vector<16xf32>
    %mul3A_308 = arith.mulf %get3A_307, %broadcast_in_dim3A : vector<16xf32>
    %add3A_309 = arith.addf %mul3A_308, %broadcast_in_dim3A_51 : vector<16xf32>
    %swap3A_310 = arith.constant 416 : index
    %swap3A_311 = tpu.vector_load %arg8[%swap3A_310] {strides = array<i32>} : memref<512xf32, #tpu.memory_space<vmem>>, vector<16xf32>,
    %swap3A_312 = vector.shape_cast %swap3A_311 : vector<16xf32> to vector<16xf32>
    %swap3A_313 = vector.shape_cast %add3A_309 : vector<16xf32> to vector<16xf32>
    tpu.vector_store %arg8[%swap3A_310], %swap3A_313 {strides = array<i32>} : memref<512xf32, #tpu.memory_space<vmem>>, vector<16xf32>,
    %get3A_314 = arith.constant 432 : index
    %get3A_315 = tpu.vector_load %arg8[%get3A_314] {strides = array<i32>} : memref<512xf32, #tpu.memory_space<vmem>>, vector<16xf32>,
    %get3A_316 = vector.shape_cast %get3A_315 : vector<16xf32> to vector<16xf32>
    %mul3A_317 = arith.mulf %get3A_316, %broadcast_in_dim3A : vector<16xf32>
    %add3A_318 = arith.addf %mul3A_317, %broadcast_in_dim3A_51 : vector<16xf32>
    %swap3A_319 = arith.constant 432 : index
    %swap3A_320 = tpu.vector_load %arg8[%swap3A_319] {strides = array<i32>} : memref<512xf32, #tpu.memory_space<vmem>>, vector<16xf32>,
    %swap3A_321 = vector.shape_cast %swap3A_320 : vector<16xf32> to vector<16xf32>
    %swap3A_322 = vector.shape_cast %add3A_318 : vector<16xf32> to vector<16xf32>
    tpu.vector_store %arg8[%swap3A_319], %swap3A_322 {strides = array<i32>} : memref<512xf32, #tpu.memory_space<vmem>>, vector<16xf32>,
    %get3A_323 = arith.constant 448 : index
    %get3A_324 = tpu.vector_load %arg8[%get3A_323] {strides = array<i32>} : memref<512xf32, #tpu.memory_space<vmem>>, vector<16xf32>,
    %get3A_325 = vector.shape_cast %get3A_324 : vector<16xf32> to vector<16xf32>
    %mul3A_326 = arith.mulf %get3A_325, %broadcast_in_dim3A : vector<16xf32>
    %add3A_327 = arith.addf %mul3A_326, %broadcast_in_dim3A_51 : vector<16xf32>
    %swap3A_328 = arith.constant 448 : index
    %swap3A_329 = tpu.vector_load %arg8[%swap3A_328] {strides = array<i32>} : memref<512xf32, #tpu.memory_space<vmem>>, vector<16xf32>,
    %swap3A_330 = vector.shape_cast %swap3A_329 : vector<16xf32> to vector<16xf32>
    %swap3A_331 = vector.shape_cast %add3A_327 : vector<16xf32> to vector<16xf32>
    tpu.vector_store %arg8[%swap3A_328], %swap3A_331 {strides = array<i32>} : memref<512xf32, #tpu.memory_space<vmem>>, vector<16xf32>,
    %get3A_332 = arith.constant 464 : index
    %get3A_333 = tpu.vector_load %arg8[%get3A_332] {strides = array<i32>} : memref<512xf32, #tpu.memory_space<vmem>>, vector<16xf32>,
    %get3A_334 = vector.shape_cast %get3A_333 : vector<16xf32> to vector<16xf32>
    %mul3A_335 = arith.mulf %get3A_334, %broadcast_in_dim3A : vector<16xf32>
    %add3A_336 = arith.addf %mul3A_335, %broadcast_in_dim3A_51 : vector<16xf32>
    %swap3A_337 = arith.constant 464 : index
    %swap3A_338 = tpu.vector_load %arg8[%swap3A_337] {strides = array<i32>} : memref<512xf32, #tpu.memory_space<vmem>>, vector<16xf32>,
    %swap3A_339 = vector.shape_cast %swap3A_338 : vector<16xf32> to vector<16xf32>
    %swap3A_340 = vector.shape_cast %add3A_336 : vector<16xf32> to vector<16xf32>
    tpu.vector_store %arg8[%swap3A_337], %swap3A_340 {strides = array<i32>} : memref<512xf32, #tpu.memory_space<vmem>>, vector<16xf32>,
    %get3A_341 = arith.constant 480 : index
    %get3A_342 = tpu.vector_load %arg8[%get3A_341] {strides = array<i32>} : memref<512xf32, #tpu.memory_space<vmem>>, vector<16xf32>,
    %get3A_343 = vector.shape_cast %get3A_342 : vector<16xf32> to vector<16xf32>
    %mul3A_344 = arith.mulf %get3A_343, %broadcast_in_dim3A : vector<16xf32>
    %add3A_345 = arith.addf %mul3A_344, %broadcast_in_dim3A_51 : vector<16xf32>
    %swap3A_346 = arith.constant 480 : index
    %swap3A_347 = tpu.vector_load %arg8[%swap3A_346] {strides = array<i32>} : memref<512xf32, #tpu.memory_space<vmem>>, vector<16xf32>,
    %swap3A_348 = vector.shape_cast %swap3A_347 : vector<16xf32> to vector<16xf32>
    %swap3A_349 = vector.shape_cast %add3A_345 : vector<16xf32> to vector<16xf32>
    tpu.vector_store %arg8[%swap3A_346], %swap3A_349 {strides = array<i32>} : memref<512xf32, #tpu.memory_space<vmem>>, vector<16xf32>,
    %get3A_350 = arith.constant 496 : index
    %get3A_351 = tpu.vector_load %arg8[%get3A_350] {strides = array<i32>} : memref<512xf32, #tpu.memory_space<vmem>>, vector<16xf32>,
    %get3A_352 = vector.shape_cast %get3A_351 : vector<16xf32> to vector<16xf32>
    %mul3A_353 = arith.mulf %get3A_352, %broadcast_in_dim3A : vector<16xf32>
    %add3A_354 = arith.addf %mul3A_353, %broadcast_in_dim3A_51 : vector<16xf32>
    %swap3A_355 = arith.constant 496 : index
    %swap3A_356 = tpu.vector_load %arg8[%swap3A_355] {strides = array<i32>} : memref<512xf32, #tpu.memory_space<vmem>>, vector<16xf32>,
    %swap3A_357 = vector.shape_cast %swap3A_356 : vector<16xf32> to vector<16xf32>
    %swap3A_358 = vector.shape_cast %add3A_354 : vector<16xf32> to vector<16xf32>
    tpu.vector_store %arg8[%swap3A_355], %swap3A_358 {strides = array<i32>} : memref<512xf32, #tpu.memory_space<vmem>>, vector<16xf32>,
    %add3A_359 = arith.constant 256 : i32
    %add3A_360 = arith.addi %mul3A_2, %add3A_359 : i32
    %dma_start3A_361 = arith.constant 256 : i32
    %dma_start3A_362 = tpu.memref_slice %arg8[%dma_start3A_361] : memref<512xf32, #tpu.memory_space<vmem>> -> memref<256xf32, #tpu.memory_space<vmem>>
    %dma_start3A_363 = tpu.memref_slice %arg6[%add3A_360] : memref<16384xf32, #tpu.memory_space<hbm>> -> memref<256xf32, #tpu.memory_space<hbm>>
    %dma_start3A_364 = tpu.memref_slice %arg6[%add3A_360] : memref<16384xf32, #tpu.memory_space<hbm>> -> memref<256xf32, #tpu.memory_space<hbm>>
    %dma_start3A_365 = arith.constant 256 : i32
    %dma_start3A_366 = tpu.memref_slice %arg8[%dma_start3A_365] : memref<512xf32, #tpu.memory_space<vmem>> -> memref<256xf32, #tpu.memory_space<vmem>>
    tpu.enqueue_dma source(%dma_start3A_366 : memref<256xf32, #tpu.memory_space<vmem>>) target(%dma_start3A_364 : memref<256xf32, #tpu.memory_space<hbm>>) target_semaphore(%arg11 : memref<!tpu.dma_semaphore, #tpu.memory_space<semaphore_mem>>)
    %dma_wait3A_367 = arith.constant 0 : i32
    %dma_wait3A_368 = tpu.memref_slice %arg8[%dma_wait3A_367] : memref<512xf32, #tpu.memory_space<vmem>> -> memref<256xf32, #tpu.memory_space<vmem>>
    %dma_wait3A_369 = tpu.memref_slice %arg6[%add3A_202] : memref<16384xf32, #tpu.memory_space<hbm>> -> memref<256xf32, #tpu.memory_space<hbm>>
    %dma_wait3A_370 = tpu.memref_slice %arg6[%add3A_202] : memref<16384xf32, #tpu.memory_space<hbm>> -> memref<256xf32, #tpu.memory_space<hbm>>
    %dma_wait3A_371 = arith.constant 0 : i32
    %dma_wait3A_372 = tpu.memref_slice %arg8[%dma_wait3A_371] : memref<512xf32, #tpu.memory_space<vmem>> -> memref<256xf32, #tpu.memory_space<vmem>>
    tpu.wait_dma2 semaphore(%arg11 : memref<!tpu.dma_semaphore, #tpu.memory_space<semaphore_mem>>) src(%dma_wait3A_372 : memref<256xf32, #tpu.memory_space<vmem>>) dst(%dma_wait3A_370 : memref<256xf32, #tpu.memory_space<hbm>>)
    %dma_wait3A_373 = arith.constant 256 : i32
    %dma_wait3A_374 = tpu.memref_slice %arg8[%dma_wait3A_373] : memref<512xf32, #tpu.memory_space<vmem>> -> memref<256xf32, #tpu.memory_space<vmem>>
    %dma_wait3A_375 = tpu.memref_slice %arg6[%add3A_360] : memref<16384xf32, #tpu.memory_space<hbm>> -> memref<256xf32, #tpu.memory_space<hbm>>
    %dma_wait3A_376 = tpu.memref_slice %arg6[%add3A_360] : memref<16384xf32, #tpu.memory_space<hbm>> -> memref<256xf32, #tpu.memory_space<hbm>>
    %dma_wait3A_377 = arith.constant 256 : i32
    %dma_wait3A_378 = tpu.memref_slice %arg8[%dma_wait3A_377] : memref<512xf32, #tpu.memory_space<vmem>> -> memref<256xf32, #tpu.memory_space<vmem>>
    tpu.wait_dma2 semaphore(%arg11 : memref<!tpu.dma_semaphore, #tpu.memory_space<semaphore_mem>>) src(%dma_wait3A_378 : memref<256xf32, #tpu.memory_space<vmem>>) dst(%dma_wait3A_376 : memref<256xf32, #tpu.memory_space<hbm>>)
    return
  }
}

</mosaic_0001>

<sc_bundles>
// kernel: kernel.3.cloned.1.call-start
scs
__scs_entry_jumppad:
0x0: {  	(pc) =	sbr.rel $0x88, $3  }
0x1: {  	(tag) =	ssettag $0x0;
	lr =	simm.s32 $0x1  }
0x2: {  	[smem:$0x3F9D] =	sst lr;
	_ =	strace $0xD0000000  }
0x3: {  	_ = 	snop  }
0x4: {  	_ = 	snop  }
0x5: {  	_ = 	snop  }
0x6: {  	_ = 	snop  }
0x7: {  	_ = 	snop  }
__scs_overlays_trampoline_lowered:
0x8: {  	[smem:$0x3FAC] =	sst s0  }
0x9: {  	[smem:$0x3FAD] =	sst s1  }
0xa: {  	[smem:$0x3FAE] =	sst s2  }
0xb: {  	[smem:$0x3FAF] =	sst s3  }
0xc: {  	[smem:$0x3FB0] =	sst s4  }
0xd: {  	[smem:$0x3FB1] =	sst s5  }
0xe: {  	[smem:$0x3FB2] =	sst s6  }
0xf: {  	[smem:$0x3FB3] =	sst s7  }
0x10: {  	[smem:$0x3FB4] =	sst s8  }
0x11: {  	[smem:$0x3FB5] =	sst s9;
	s0 =	simm.s32 @!p0 $0x0  }
0x12: {  	s1 =	sld [smem:$0x3F9B];
	s0 =	simm.s32 @p0 $0x1  }
0x13: {  	[smem:$0x3FB6] =	sst s0;
	s0 =	simm.s32 @!p1 $0x0  }
0x14: {  	s2 =	sld [smem:$0x3F9A];
	s0 =	simm.s32 @p1 $0x1  }
0x15: {  	[smem:$0x3FB7] =	sst s0;
	s0 =	simm.s32 @!p2 $0x0  }
0x16: {  	s3 =	sld [smem:$0x3FDB];
	s0 =	simm.s32 @p2 $0x1  }
0x17: {  	s4 =	simm.s32 $0x1BF5;
	[smem:$0x3FB9] =	sst s0  }
0x18: {  	s0 =	sld [smem:$0x3F9C];
	_ =	swait.ge [sflag:s4], $0x0  }
0x19: {  	s7 =	sld [smem:$0x3F9D]  }
0x1a: {  	s8 =	sadd.s32 $0xFFFFE003, lr  }
0x1b: {  	s9 =	sadd.s32 $0xFFFFFEF7, lr;
	s5 =	simm.s32 $0xFFFFFFFF;
	p2 =	slt.u32 s8, $0xFFFFF086  }
0x1c: {  	p1 =	slt.u32 s9, $0xF7A;
	s5 =	simm.s32 @!p2 $0x0  }
0x1d: {  	s5 =	simm.s32 @p1 $0x1;
	p0 =	seq.s32 s7, s2  }
0x1e: {  	s7 =	smul.u32 @!p0 $0xF7A, s2;
	p2 =	seq.s32 @!p0 s5, $0x0  }
0x1f: {  	s9 =	smul.u32 $0xF7A, s1;
	s8 =	simm.s32 @!p0 $0x1BF5;
	p2 =	por !p2, p0  }
0x20: {  	[sflag:s8] =	ssyncset.s32 @!p0 $0xFFFFF086;
	s6 =	sadd.s32 @!p0 s3, s7;
	s7 =	simm.s32 @!p0 $0x108  }
0x21: {  	s3 =	sadd.s32 s3, s9;
	s6 =	sadd.s32 @!p0 $0x88, s6;
	s7 =	simm.s32 @p2 $0x1082  }
0x22: {  	[simem:s7], [sflag:s8] =	dma.local @!p0 [hbm:s6], $0xF7A  }
0x23: {  	s9 =	sor.u32 $0xD0000000, s2;
	s6 =	simm.s32 $0x108;
	_ =	swait.ge @!p0 [sflag:s8], $0x0  }
0x24: {  	s3 =	sadd.s32 $0x88, s3;
	s6 =	simm.s32 @!p1 $0x1082;
	[sflag:s4] =	ssyncset.s32 $0xFFFFF086  }
0x25: {  	[simem:s6], [sflag:s4] =	dma.local [hbm:s3], $0xF7A  }
0x26: {  	[smem:$0x3F9D] =	sst s1;
	(tag) =	ssettag s2;
	_ =	strace s9  }
0x27: {  	s1 =	sld [smem:$0x3FAD]  }
0x28: {  	s2 =	sld [smem:$0x3FAE]  }
0x29: {  	s4 =	sld [smem:$0x3FB0]  }
0x2a: {  	p0 =	seq.s32 s5, $0x0;
	s5 =	sld [smem:$0x3FB1]  }
0x2b: {  	s6 =	sld [smem:$0x3FB2]  }
0x2c: {  	s7 =	sld [smem:$0x3FB3]  }
0x2d: {  	s3 =	simm.s32 $0x108;
	s8 =	sld [smem:$0x3FB4]  }
0x2e: {  	s3 =	simm.s32 @!p0 $0x1082;
	s9 =	sld [smem:$0x3FB5]  }
0x2f: {  	lr =	sadd.s32 s0, s3;
	s0 =	sld [smem:$0x3FAC]  }
0x30: {  	s3 =	sld [smem:$0x3FAF]  }
0x31: {  	[smem:$0x3FB8] =	sst s10  }
0x32: {  	s10 =	sld [smem:$0x3FB6];
	_ =	sdelay $0x3  }
0x33: {  	p0 =	seq.s32 s10, $0x1;
	s10 =	sld [smem:$0x3FB8];
	_ =	sdelay $0x3  }
0x34: {  	[smem:$0x3FB8] =	sst s10  }
0x35: {  	s10 =	sld [smem:$0x3FB7];
	_ =	sdelay $0x3  }
0x36: {  	p1 =	seq.s32 s10, $0x1;
	s10 =	sld [smem:$0x3FB8];
	_ =	sdelay $0x3  }
0x37: {  	[smem:$0x3FB8] =	sst s10  }
0x38: {  	s10 =	sld [smem:$0x3FB9]  }
0x39: {  	_ = 	snop;
	(pc) =	sbr.ind lr, $3  }
0x3a: {  	_ = 	snop  }
0x3b: {  	_ = 	snop  }
0x3c: {  	p2 =	seq.s32 s10, $0x1;
	s10 =	sld [smem:$0x3FB8]  }
0x3d: {  	_ =	shalt  }
0x3e: {  	_ =	shalt  }
0x3f: {  	_ =	shalt  }
0x40: {  	_ =	shalt  }
0x41: {  	_ =	shalt  }
0x42: {  	_ =	shalt  }
0x43: {  	_ =	shalt  }
0x44: {  	_ =	shalt  }
0x45: {  	_ =	shalt  }
0x46: {  	_ =	shalt  }
0x47: {  	_ =	shalt  }
0x48: {  	_ =	shalt  }
0x49: {  	_ =	shalt  }
0x4a: {  	_ =	shalt  }
0x4b: {  	_ =	shalt  }
0x4c: {  	_ =	shalt  }
0x4d: {  	_ =	shalt  }
0x4e: {  	_ =	shalt  }
0x4f: {  	_ =	shalt  }
0x50: {  	_ =	shalt  }
0x51: {  	_ =	shalt  }
0x52: {  	_ =	shalt  }
0x53: {  	_ =	shalt  }
0x54: {  	_ =	shalt  }
0x55: {  	_ =	shalt  }
0x56: {  	_ =	shalt  }
0x57: {  	_ =	shalt  }
0x58: {  	_ =	shalt  }
0x59: {  	_ =	shalt  }
0x5a: {  	_ =	shalt  }
0x5b: {  	_ =	shalt  }
0x5c: {  	_ =	shalt  }
0x5d: {  	_ =	shalt  }
0x5e: {  	_ =	shalt  }
0x5f: {  	_ =	shalt  }
0x60: {  	_ =	shalt  }
0x61: {  	_ =	shalt  }
0x62: {  	_ =	shalt  }
0x63: {  	_ =	shalt  }
0x64: {  	_ =	shalt  }
0x65: {  	_ =	shalt  }
0x66: {  	_ =	shalt  }
0x67: {  	_ =	shalt  }
0x68: {  	_ =	shalt  }
0x69: {  	_ =	shalt  }
0x6a: {  	_ =	shalt  }
0x6b: {  	_ =	shalt  }
0x6c: {  	_ =	shalt  }
0x6d: {  	_ =	shalt  }
0x6e: {  	_ =	shalt  }
0x6f: {  	_ =	shalt  }
0x70: {  	_ =	shalt  }
0x71: {  	_ =	shalt  }
0x72: {  	_ =	shalt  }
0x73: {  	_ =	shalt  }
0x74: {  	_ =	shalt  }
0x75: {  	_ =	shalt  }
0x76: {  	_ =	shalt  }
0x77: {  	_ =	shalt  }
0x78: {  	_ =	shalt  }
0x79: {  	_ =	shalt  }
0x7a: {  	_ =	shalt  }
0x7b: {  	_ =	shalt  }
0x7c: {  	_ =	shalt  }
0x7d: {  	_ =	shalt  }
0x7e: {  	_ =	shalt  }
0x7f: {  	_ =	shalt  }
0x80: {  	_ =	shalt  }
0x81: {  	_ =	shalt  }
0x82: {  	_ =	shalt  }
0x83: {  	_ =	shalt  }
0x84: {  	_ =	shalt  }
0x85: {  	_ =	shalt  }
0x86: {  	_ =	shalt  }
0x87: {  	_ =	shalt  }
.Lfunc_end0:
.L_simem_size_0:
called_computation_lowered:
.L_overlay_start_0:
0x88: {  	s2 =	sld [smem:$0x3FD9]  }
0x89: {  	s3 =	sld [smem:$0x3FFE];
	_ =	sdelay $0x1  }
0x8a: {  	s1 =	srdreg.scid  }
0x8b: {  	s0 =	sand.u32 $0x1, s1  }
0x8c: {  	s18 =	sshll.u32 s0, $0xA;
	s2 =	sadd.s32 s3, s2  }
0x8d: {  	s2 =	sadd.s32 s2, s18  }
0x8e: {  	[smem:$0x3FC4] =	sst s2  }
0x8f: {  	_ = 	snop  }
0x90: {  	s2 =	sld [smem:$0x3FC9]  }
0x91: {  	s19 =	sld [smem:$0x3FC8]  }
0x92: {  	s4 =	sld [smem:$0x3FC7]  }
0x93: {  	s5 =	sld [smem:$0x3FC6]  }
0x94: {  	s6 =	sld [smem:$0x3FD0];
	(tm) =	ssettm $0x1  }
0x95: {  	s7 =	sld [smem:$0x3FFB];
	_ =	sdelay $0x3  }
0x96: {  	_ =	strace s7  }
0x97: {  	s7 =	sld [smem:$0x3FFC];
	_ =	sdelay $0x3  }
0x98: {  	_ =	strace s7  }
0x99: {  	s7 =	sld [smem:$0x3FFD];
	_ =	sdelay $0x3  }
0x9a: {  	_ =	strace s7  }
0x9b: {  	_ =	strace $0x8FFFFFFF  }
0x9c: {  	s20 =	sld [smem:$0x3FDB];
	_ =	sdelay $0x1  }
0x9d: {  	s8 =	simm.s32 $_scs_section_size  }
0x9e: {  	s9 =	simm.s32 $_size__tile_overlayer_lowered;
	s10 =	simm.s32 $_tile_overlayer_lowered  }
0x9f: {  	s23 =	simm.s32 $0x1BFF;
	s22 =	sshll.u32 s10, $0x1;
	s7 =	sadd.s32 s8, s20  }
0xa0: {  	s11 =	simm.s32 $0x0;
	s21 =	sshll.u32 s9, $0x1;
	s9 =	sadd.s32 s22, s7  }
0xa1: {  	[timem:s11], [sflag:s23] =	dma.local [hbm:s9], s21  }
0xa2: {  	_ =	swait.ge [sflag:s23], s21  }
0xa3: {  	s8 =	ssub.s32 $0x0, s21;
	[sflag:s23] =	ssyncset.done $0x0  }
0xa4: {  	[sflag:s23] =	ssyncadd.s32 s8;
	_ =	sdelay $0x1  }
0xa5: {  	s24 =	simm.s32 $0x1B8B  }
0xa6: {  	_ =	swait.ge [sflag:s24], $0x1  }
0xa7: {  	[sflag:s24] =	ssyncset.done $0x0  }
0xa8: {  	s25 =	simm.s32 $0x1B8E;
	[sflag:s24] =	ssyncadd.s32 $0xFFFFFFFF  }
0xa9: {  	s26 =	simm.s32 $execute0_lowered;
	[smem:$0x3FD2] =	sst s25  }
0xaa: {  	s8 =	sshll.u32 s26, $0x1;
	_ =	strace $0x80000046;
	[dreg:$0x1] =	wrdreg $0xFFFFFFFF  }
0xab: {  	s28 =	simm.s32 $_size_execute0_lowered;
	s7 =	sadd.s32 s7, s8;
	[dreg:$0x0] =	wrdreg $0x0  }
0xac: {  	s8 =	sshll.u32 s28, $0x1;
	[dreg:$0x2] =	wrdreg s7  }
0xad: {  	[dreg:$0x3] =	wrdreg s8  }
0xae: {  	[dreg:$0x4] =	wrdreg $0xC0  }
0xaf: {  	_ =	task [dreg:s11], $0x5FFFF  }
0xb0: {  	[dreg:$0x1] =	wrdreg $0xFFFFFFFF  }
0xb1: {  	[dreg:$0x0] =	wrdreg $0x60  }
0xb2: {  	[dreg:$0x2] =	wrdreg s2  }
0xb3: {  	[dreg:$0x3] =	wrdreg s19  }
0xb4: {  	[dreg:$0x4] =	wrdreg s4  }
0xb5: {  	[dreg:$0x5] =	wrdreg s5  }
0xb6: {  	[dreg:$0x6] =	wrdreg s6  }
0xb7: {  	[dreg:$0x7] =	wrdreg $0x9  }
0xb8: {  	_ =	task.clear_ibuf [dreg:s11], $0x8FFFF;
	_ =	strace $0x90000046  }
0xb9: {  	s29 =	simm.s32 $0x9;
	_ =	strace $0x80000048  }
0xba: {  	_ =	swait.ge [sflag:s29], $0x1  }
0xbb: {  	[sflag:s29] =	ssyncadd.s32 $0xFFFFFFFF  }
0xbc: {  	_ =	strace $0x90000048  }
0xbd: {  	_ =	sfence  }
0xbe: {  	s30 =	sld [smem:$0x0];
	_ =	sdelay $0x2  }
0xbf: {  	s31 =	sshll.u32 s1, $0xD;
	s1 =	sshrl.u32 s1, $0x2  }
0xc0: {  	s3 =	sand.u32 $0x4000, s31;
	s1 =	sadd.s32 s1, s30  }
0xc1: {  	s0 =	sor.u32 s3, s0;
	s1 =	sshll.u32 s1, $0x11  }
0xc2: {  	s0 =	sor.u32 s1, s0  }
0xc3: {  	s0 =	sadd.s32 $0x8F2B, s0  }
0xc4: {  	[sflag:s0] =	ssyncadd.remote.s32 $0x1  }
0xc5: {  	_ =	sfence.sel $0xFFFF  }
0xc6: {  	[dreg:$0x0] =	wrdreg $0xFFFFFFFF;
	(pc) =	sbr.abs _section_cstart, $3  }
0xc7: {  	[dreg:$0x1] =	wrdreg $0xFFFFFFFF  }
0xc8: {  	_ =	task.clear_ibuf [dreg:s11], $0x2FFFF;
	_ =	strace $0x9FFFFFFF  }
0xc9: {  	(tm) =	ssettm $0x7FFFFFFF  }
tec
execute0_lowered:
.L_overlay_start_1:
0x0: {  	(tag) =	ssettag $0x1  }
0x1: {  	s1 =	rddreg [dreg:$0x0]  }
0x2: {  	s2 =	rddreg [dreg:$0x1]  }
0x3: {  	s3 =	rddreg [dreg:$0x2]  }
0x4: {  	s6 =	rddreg [dreg:$0x3]  }
0x5: {  	s7 =	rddreg [dreg:$0x4]  }
0x6: {  	s0 =	rddreg [dreg:$0x5];
	s5 =	simm.s32 $0x0;
	s8 =	srdreg.scid  }
0x7: {  	s4 =	stileid.u32;
	s12 =	simm.s32 $0x1;
	s13 =	simm.s32 $0x100  }
0x8: {  	s14 =	simm.s32 $0x200;
	s15 =	simm.s32 $0x300;
	s16 =	simm.s32 $0x3  }
0x9: {  	s17 =	simm.s32 $0x4;
	s18 =	simm.s32 $0x5;
	s19 =	simm.s32 $0x2  }
0xa: {  	[smem:$0x7FF] =	sst s5;
	s8 =	sand.u32 $0x1, s8;
	s10 =	sshll.u32 s4, $0x7  }
0xb: {  	s9 =	ssub.s32 $0x2, s8;
	s8 =	sshll.u32 s8, $0x6;
	_ =	strace $0x80000047  }
0xc: {  	s11 =	sshrl.u32 s9, $0x1;
	s8 =	sor.u32 s8, s10;
	s10 =	simm.s32 $0x400  }
0xd: {  	s9 =	ssub.s32 s9, s11;
	s6 =	sadd.s32 s6, s8;
	s7 =	sadd.s32 s7, s8  }
0xe: {  	s11 =	simm.s32 $0x408;
	s8 =	sadd.s32 $0x20, s7;
	s9 =	smax.u32 s9, $0x1  }
.LBB2_1:
0xf: {  	[tilespmem:s5], [sflag:$0x1] =	stream.linear.gather [hbm4b:s6+s5], $0x200, $0x38;
	[tilespmem:$0x480] =	vst v63  }
0x10: {  	_ = 	snop  }
0x11: {  	[tilespmem:s10], [sflag:$0x3] =	stream.linear.gather [hbm4b:s2+s5], $0x1, $0x38;
	[tilespmem:$0x480] =	vst v63  }
0x12: {  	_ = 	snop  }
0x13: {  	[tilespmem:s11], [sflag:$0x3] =	stream.linear.gather [hbm4b:s3+s5], $0x1, $0x38;
	[tilespmem:$0x480] =	vst v63  }
0x14: {  	_ =	swait.ge [sflag:s12], $0x200  }
0x15: {  	[sflag:s12] =	ssyncset.done $0x0  }
0x16: {  	[sflag:s12] =	ssyncadd.s32 $0xFFFFFE00  }
0x17: {  	[tilespmem:s14], [sflag:$0x4] =	stream.indirect.gather [hbm4b:s1+s13], $0x1, s5, s13, $0xb8;
	[tilespmem:$0x480] =	vst v63  }
0x18: {  	_ = 	snop  }
0x19: {  	[tilespmem:s15], [sflag:$0x5] =	stream.indirect.gather [hbm4b:s1+s13], $0x1, s13, s13, $0xb8;
	[tilespmem:$0x480] =	vst v63  }
0x1a: {  	_ =	swait.ge [sflag:s16], $0x1  }
0x1b: {  	[sflag:s16] =	ssyncset.done $0x0  }
0x1c: {  	[sflag:s16] =	ssyncadd.s32 $0xFFFFFFFF  }
0x1d: {  	_ =	swait.ge [sflag:s16], $0x1  }
0x1e: {  	[sflag:s16] =	ssyncset.done $0x0  }
0x1f: {  	[sflag:s16] =	ssyncadd.s32 $0xFFFFFFFF  }
0x20: {  	v0 =	vld [tilespmem:$0x400];
	_ =	swait.ge [sflag:s17], $0x100  }
0x21: {  	[sflag:s17] =	ssyncset.done $0x0  }
0x22: {  	[sflag:s17] =	ssyncadd.s32 $0xFFFFFF00  }
0x23: {  	v1 =	vld [tilespmem:$0x200]  }
0x24: {  	v2 =	vld [tilespmem:$0x210]  }
0x25: {  	v3 =	vld [tilespmem:$0x220]  }
0x26: {  	v5 =	vld [tilespmem:$0x230];
	v4 =	vbroadcast v0, $0x0  }
0x27: {  	v6 =	vld [tilespmem:$0x240]  }
0x28: {  	v7 =	vld [tilespmem:$0x250];
	v0 =	vbroadcast v0, $0x8;
	v1 =	vmul.f32 v1, v4  }
0x29: {  	v8 =	vld [tilespmem:$0x260];
	v2 =	vmul.f32 v2, v4  }
0x2a: {  	v9 =	vld [tilespmem:$0x270];
	v3 =	vmul.f32 v3, v4;
	v1 =	vadd.f32 v1, v0  }
0x2b: {  	v10 =	vld [tilespmem:$0x280];
	v5 =	vmul.f32 v5, v4;
	v2 =	vadd.f32 v2, v0  }
0x2c: {  	v45 =	vld [tilespmem:$0x290];
	v44 =	vmul.f32 v6, v4;
	v43 =	vadd.f32 v3, v0;
	[tilespmem:$0x200] =	vst v1  }
0x2d: {  	v48 =	vld [tilespmem:$0x2A0];
	v47 =	vmul.f32 v7, v4;
	v46 =	vadd.f32 v5, v0;
	[tilespmem:$0x210] =	vst v2  }
0x2e: {  	v51 =	vld [tilespmem:$0x2B0];
	v50 =	vmul.f32 v8, v4;
	v49 =	vadd.f32 v44, v0;
	[tilespmem:$0x220] =	vst v43  }
0x2f: {  	v54 =	vld [tilespmem:$0x2C0];
	v53 =	vmul.f32 v9, v4;
	v52 =	vadd.f32 v47, v0;
	[tilespmem:$0x230] =	vst v46  }
0x30: {  	v57 =	vld [tilespmem:$0x2D0];
	v56 =	vmul.f32 v10, v4;
	v55 =	vadd.f32 v50, v0;
	[tilespmem:$0x240] =	vst v49  }
0x31: {  	v60 =	vld [tilespmem:$0x2E0];
	v59 =	vmul.f32 v45, v4;
	v58 =	vadd.f32 v53, v0;
	[tilespmem:$0x250] =	vst v52  }
0x32: {  	v63 =	vld [tilespmem:$0x2F0];
	v62 =	vmul.f32 v48, v4;
	v61 =	vadd.f32 v56, v0;
	[tilespmem:$0x260] =	vst v55  }
0x33: {  	v12 =	vmul.f32 v51, v4;
	v11 =	vadd.f32 v59, v0;
	[tilespmem:$0x270] =	vst v58  }
0x34: {  	v14 =	vmul.f32 v54, v4;
	v13 =	vadd.f32 v62, v0;
	[tilespmem:$0x280] =	vst v61  }
0x35: {  	v16 =	vmul.f32 v57, v4;
	v15 =	vadd.f32 v12, v0;
	[tilespmem:$0x290] =	vst v11  }
0x36: {  	v18 =	vmul.f32 v60, v4;
	v17 =	vadd.f32 v14, v0;
	[tilespmem:$0x2A0] =	vst v13  }
0x37: {  	v20 =	vmul.f32 v63, v4;
	v19 =	vadd.f32 v16, v0;
	[tilespmem:$0x2B0] =	vst v15  }
0x38: {  	v21 =	vadd.f32 v18, v0;
	[tilespmem:$0x2C0] =	vst v17  }
0x39: {  	v22 =	vadd.f32 v20, v0;
	[tilespmem:$0x2D0] =	vst v19  }
0x3a: {  	[tilespmem:$0x2E0] =	vst v21  }
0x3b: {  	[tilespmem:$0x2F0] =	vst v22  }
0x3c: {  	[hbm4b:s7+s5] =	stream.linear.scatter [tilespmem:s14], [sflag:$0x2], $0x100, $0x38;
	[tilespmem:$0x480] =	vst v63  }
0x3d: {  	_ =	swait.ge [sflag:s18], $0x100  }
0x3e: {  	[sflag:s18] =	ssyncset.done $0x0  }
0x3f: {  	[sflag:s18] =	ssyncadd.s32 $0xFFFFFF00  }
0x40: {  	v23 =	vld [tilespmem:$0x300]  }
0x41: {  	v24 =	vld [tilespmem:$0x310]  }
0x42: {  	v25 =	vld [tilespmem:$0x320]  }
0x43: {  	v26 =	vld [tilespmem:$0x330]  }
0x44: {  	v27 =	vld [tilespmem:$0x340]  }
0x45: {  	v28 =	vld [tilespmem:$0x350];
	v1 =	vmul.f32 v23, v4  }
0x46: {  	v29 =	vld [tilespmem:$0x360];
	v2 =	vmul.f32 v24, v4  }
0x47: {  	v30 =	vld [tilespmem:$0x370];
	v3 =	vmul.f32 v25, v4;
	v1 =	vadd.f32 v1, v0  }
0x48: {  	v31 =	vld [tilespmem:$0x380];
	v5 =	vmul.f32 v26, v4;
	v2 =	vadd.f32 v2, v0  }
0x49: {  	v34 =	vld [tilespmem:$0x390];
	v33 =	vmul.f32 v27, v4;
	v32 =	vadd.f32 v3, v0;
	[tilespmem:$0x300] =	vst v1  }
0x4a: {  	v37 =	vld [tilespmem:$0x3A0];
	v36 =	vmul.f32 v28, v4;
	v35 =	vadd.f32 v5, v0;
	[tilespmem:$0x310] =	vst v2  }
0x4b: {  	v40 =	vld [tilespmem:$0x3B0];
	v39 =	vmul.f32 v29, v4;
	v38 =	vadd.f32 v33, v0;
	[tilespmem:$0x320] =	vst v32  }
0x4c: {  	v43 =	vld [tilespmem:$0x3C0];
	v42 =	vmul.f32 v30, v4;
	v41 =	vadd.f32 v36, v0;
	[tilespmem:$0x330] =	vst v35  }
0x4d: {  	v46 =	vld [tilespmem:$0x3D0];
	v45 =	vmul.f32 v31, v4;
	v44 =	vadd.f32 v39, v0;
	[tilespmem:$0x340] =	vst v38  }
0x4e: {  	v49 =	vld [tilespmem:$0x3E0];
	v48 =	vmul.f32 v34, v4;
	v47 =	vadd.f32 v42, v0;
	[tilespmem:$0x350] =	vst v41  }
0x4f: {  	v52 =	vld [tilespmem:$0x3F0];
	v51 =	vmul.f32 v37, v4;
	v50 =	vadd.f32 v45, v0;
	[tilespmem:$0x360] =	vst v44  }
0x50: {  	v54 =	vmul.f32 v40, v4;
	v53 =	vadd.f32 v48, v0;
	[tilespmem:$0x370] =	vst v47  }
0x51: {  	v56 =	vmul.f32 v43, v4;
	v55 =	vadd.f32 v51, v0;
	[tilespmem:$0x380] =	vst v50  }
0x52: {  	v58 =	vmul.f32 v46, v4;
	v57 =	vadd.f32 v54, v0;
	[tilespmem:$0x390] =	vst v53  }
0x53: {  	v60 =	vmul.f32 v49, v4;
	v59 =	vadd.f32 v56, v0;
	[tilespmem:$0x3A0] =	vst v55  }
0x54: {  	v61 =	vmul.f32 v52, v4;
	v62 =	vadd.f32 v58, v0;
	[tilespmem:$0x3B0] =	vst v57  }
0x55: {  	v63 =	vadd.f32 v60, v0;
	[tilespmem:$0x3C0] =	vst v59  }
0x56: {  	v0 =	vadd.f32 v61, v0;
	[tilespmem:$0x3D0] =	vst v62  }
0x57: {  	[tilespmem:$0x3E0] =	vst v63  }
0x58: {  	[tilespmem:$0x3F0] =	vst v0  }
0x59: {  	[hbm4b:s8+s5] =	stream.linear.scatter [tilespmem:s15], [sflag:$0x2], $0x100, $0x38;
	[tilespmem:$0x480] =	vst v63  }
0x5a: {  	p0 =	sne.s32 s9, $0x1;
	_ =	swait.ge [sflag:s19], $0x100  }
.Ltmp0:
0x5b: {  	[sflag:s19] =	ssyncset.done $0x0;
	(pc) =	sbr.rel @p0 .LBB2_1-.Ltmp0, $4  }
0x5c: {  	[sflag:s19] =	ssyncadd.s32 $0xFFFFFF00  }
0x5d: {  	_ =	swait.ge [sflag:s19], $0x100  }
0x5e: {  	[sflag:s19] =	ssyncset.done $0x0  }
0x5f: {  	s9 =	sadd.s32 $0xFFFFFFFF, s9;
	[sflag:s19] =	ssyncadd.s32 $0xFFFFFF00  }
0x60: {  	_ =	sfence.sel $0x180000  }
0x61: {  	[bflag:$0x0] =	sbarrier.arrive $0xFFFF  }
0x62: {  	p0 =	sne.s32 s4, $0x0;
	_ =	strace $0x90000047  }
0x63: {  	s0 =	sadd.s32 @!p0 $0x100000, s0;
	[bflag:$0x2] =	sbarrier.arrive $0xFFFF  }
0x64: {  	[sflag:s0] =	ssyncadd.tile.s32 @!p0 $0x1;
	_ =	shalt  }
.Lfunc_end2:
_tile_overlayer_lowered:
.L_overlay_start_2:
0x65: {  	(tag) =	ssettag $0x2  }
0x66: {  	s0 =	rddreg [dreg:$0x0];
	s2 =	stileid.u32  }
0x67: {  	s1 =	rddreg [dreg:$0x1];
	p0 =	sne.s32 s2, $0x0  }
0x68: {  	s3 =	rddreg [dreg:$0x2];
	[bflag:$0x3] =	sbarrier.arrive $0xFFFF;
	s2 =	simm.s32 @!p0 $0x1C06  }
0x69: {  	[timem:s3], [sflag:s2] =	dma.local @!p0 [hbm:s0], s1  }
0x6a: {  	s0 =	simm.s32 @!p0 $0x6  }
0x6b: {  	_ =	swait.ge @!p0 [sflag:s0], s1  }
0x6c: {  	s1 =	ssub.s32 @!p0 $0x0, s1;
	[sflag:s0] =	ssyncset.done @!p0 $0x0  }
0x6d: {  	[sflag:s0] =	ssyncadd.s32 @!p0 s1  }
0x6e: {  	[bflag:$0x3] =	sbarrier.arrive $0xFFFF  }
0x6f: {  	_ =	shalt  }

</sc_bundles>
